<compile_context>
chip_gen: v7x
topology: tpu7x:2x2x1
jax: 0.10.2.dev20260603
libtpu: 0.0.44.dev20260713+nightly
codegen_flags: <defaults>
</compile_context>

<pallas_src>
import jax
import jax.numpy as jnp
from jax import lax
from jax.experimental import pallas as pl
from jax.experimental.pallas import tpu as pltpu
from jax.experimental.pallas import tpu_sc as plsc

N = 10000
E = 320000
V = 100000
D = 128
H = 128
G = 64

NC = 2
NS = 16
NW = NC * NS

NP = 10240
CE = 80
KE = NP // NW // CE

NHALF = N // 2
TRR = 8
ACCR = NHALF + TRR
RPA = 312
RPAL = ACCR - (NS - 1) * RPA
HT = 624
HTL = N - (NS - 1) * HT

CA = 32
ET = 20480
WIN = 8
EP = ET * NS
LCAP = 800
BCAP = 16 * LCAP
KB = BCAP // CA

_mesh = plsc.VectorSubcoreMesh(
    core_axis_name="c", subcore_axis_name="s", num_cores=NC, num_subcores=NS)



def _embed_body(emb_hbm, xr_hbm, out_hbm, idx_v, buf_v, sem):
    cid = lax.axis_index("c")
    sid = lax.axis_index("s")
    wid = cid * NS + sid
    pltpu.sync_copy(xr_hbm.at[cid, sid], idx_v)
    base = wid * (KE * CE)

    def body(j, carry):
        pltpu.async_copy(emb_hbm.at[idx_v.at[j]], buf_v, sem).wait()
        pltpu.sync_copy(buf_v, out_hbm.at[pl.ds(base + j * CE, CE)])
        return carry

    lax.fori_loop(0, KE, body, 0)


@jax.jit
def _embed(emb, xr):
    return pl.kernel(
        _embed_body,
        out_type=jax.ShapeDtypeStruct((NP, D), jnp.float32),
        mesh=_mesh,
        scratch_types=[
            pltpu.VMEM((KE, CE), jnp.int32),
            pltpu.VMEM((CE, D), jnp.float32),
            pltpu.SemaphoreType.DMA,
        ],
    )(emb, xr)


def _part_body(srcf_hbm, dstf_hbm, sb_hbm, db_hbm, src_v, dst_v,
               sb0_v, sb1_v, db0_v, db1_v):
    cid = lax.axis_index("c")
    sid = lax.axis_index("s")

    pltpu.sync_copy(srcf_hbm.at[sid], src_v)
    pltpu.sync_copy(dstf_hbm.at[sid], dst_v)

    lanes = lax.iota(jnp.int32, 16)
    zs = jnp.zeros((16,), jnp.int32)
    ns = NHALF + (lanes & (TRR - 1))

    def fill(i, carry):
        sb0_v[pl.ds(i * 16, 16)] = zs
        sb1_v[pl.ds(i * 16, 16)] = zs
        db0_v[pl.ds(i * 16, 16)] = ns
        db1_v[pl.ds(i * 16, 16)] = ns
        return carry

    lax.fori_loop(0, BCAP // 16, fill, 0)

    def body(i, cur):
        c0, c1 = cur
        s_v = src_v[pl.ds(i * 16, 16)]
        d_v = dst_v[pl.ds(i * 16, 16)]
        m0 = d_v < NHALF
        m1 = jnp.logical_not(m0)
        idx0 = jnp.minimum(lanes * LCAP + c0, lanes * LCAP + LCAP - 1)
        idx1 = jnp.minimum(lanes * LCAP + c1, lanes * LCAP + LCAP - 1)
        plsc.store_scatter(sb0_v, [idx0], s_v, mask=m0)
        plsc.store_scatter(db0_v, [idx0], d_v, mask=m0)
        plsc.store_scatter(sb1_v, [idx1], s_v, mask=m1)
        plsc.store_scatter(db1_v, [idx1], d_v - NHALF, mask=m1)
        c0 = c0 + m0.astype(jnp.int32)
        c1 = c1 + m1.astype(jnp.int32)
        return c0, c1

    zc = jnp.zeros((16,), jnp.int32)
    lax.fori_loop(0, ET // 16, body, (zc, zc))

    @pl.when(cid == 0)
    def _():
        pltpu.sync_copy(sb0_v, sb_hbm.at[sid, 0])
        pltpu.sync_copy(sb1_v, sb_hbm.at[sid, 1])
        pltpu.sync_copy(db0_v, db_hbm.at[sid, 0])
        pltpu.sync_copy(db1_v, db_hbm.at[sid, 1])


@jax.jit
def _part(srcf, dstf):
    return pl.kernel(
        _part_body,
        out_type=(jax.ShapeDtypeStruct((NS, 2, BCAP), jnp.int32),
                  jax.ShapeDtypeStruct((NS, 2, BCAP), jnp.int32)),
        mesh=_mesh,
        compiler_params=pltpu.CompilerParams(needs_layout_passes=False),
        scratch_types=[
            pltpu.VMEM((ET,), jnp.int32),
            pltpu.VMEM((ET,), jnp.int32),
            pltpu.VMEM((BCAP,), jnp.int32),
            pltpu.VMEM((BCAP,), jnp.int32),
            pltpu.VMEM((BCAP,), jnp.int32),
            pltpu.VMEM((BCAP,), jnp.int32),
        ],
    )(srcf, dstf)


def _agg_body(h_hbm, srcr_hbm, dstr_hbm, z_hbm, out_hbm,
              src_v, dst_v, buf0, buf1, h_sp, acc, sem0, sem1):
    cid = lax.axis_index("c")
    sid = lax.axis_index("s")
    @pl.when(sid < NS - 1)
    def _():
        pltpu.sync_copy(h_hbm.at[pl.ds(sid * HT, HT)],
                        h_sp.at[pl.ds(sid * HT, HT)])
        pltpu.sync_copy(z_hbm.at[pl.ds(0, RPA)],
                        acc.at[pl.ds(sid * RPA, RPA)])

    @pl.when(sid == NS - 1)
    def _():
        pltpu.sync_copy(h_hbm.at[pl.ds((NS - 1) * HT, HTL)],
                        h_sp.at[pl.ds((NS - 1) * HT, HTL)])
        pltpu.sync_copy(z_hbm, acc.at[pl.ds((NS - 1) * RPA, RPAL)])

    plsc.subcore_barrier()

    def window(w, carry):
        pltpu.sync_copy(srcr_hbm.at[sid, cid, pl.ds(w * WIN, WIN)], src_v)
        pltpu.sync_copy(dstr_hbm.at[sid, cid, pl.ds(w * WIN, WIN)], dst_v)
        pltpu.async_copy(h_sp.at[src_v.at[0]], buf0, sem0)

        def body(t, c3):
            j0 = 2 * t
            pltpu.async_copy(h_sp.at[src_v.at[j0 + 1]], buf1, sem1)
            pltpu.make_async_copy(h_sp.at[src_v.at[j0]], buf0, sem0).wait()
            pltpu.sync_copy(buf0, acc.at[dst_v.at[j0]], add=True)

            @pl.when(t < WIN // 2 - 1)
            def _():
                pltpu.async_copy(h_sp.at[src_v.at[j0 + 2]], buf0, sem0)

            pltpu.make_async_copy(h_sp.at[src_v.at[j0 + 1]], buf1,
                                  sem1).wait()
            pltpu.sync_copy(buf1, acc.at[dst_v.at[j0 + 1]], add=True)
            return c3

        lax.fori_loop(0, WIN // 2, body, 0)
        return carry

    lax.fori_loop(0, KB // WIN, window, 0)
    plsc.subcore_barrier()

    @pl.when(sid < NS - 1)
    def _():
        pltpu.sync_copy(acc.at[pl.ds(sid * RPA, RPA)],
                        out_hbm.at[cid, pl.ds(sid * RPA, RPA)])

    @pl.when(sid == NS - 1)
    def _():
        pltpu.sync_copy(acc.at[pl.ds((NS - 1) * RPA, RPAL)],
                        out_hbm.at[cid, pl.ds((NS - 1) * RPA, RPAL)])


@jax.jit
def _agg(h, srcr, dstr, zrows):
    return pl.kernel(
        _agg_body,
        out_type=jax.ShapeDtypeStruct((NC, ACCR, D), jnp.float32),
        mesh=_mesh,
        scratch_types=[
            pltpu.VMEM((WIN, CA), jnp.int32),
            pltpu.VMEM((WIN, CA), jnp.int32),
            pltpu.VMEM((CA, D), jnp.float32),
            pltpu.VMEM((CA, D), jnp.float32),
            pltpu.VMEM_SHARED((N, D), jnp.float32),
            pltpu.VMEM_SHARED((ACCR, D), jnp.float32),
            pltpu.SemaphoreType.DMA,
            pltpu.SemaphoreType.DMA,
        ],
    )(h, srcr, dstr, zrows)



BR = 1024


def _mlp_body(h_ref, p_ref, w1_ref, b1_ref, w2_ref, b2_ref, o_ref):
    z = h_ref[...] + p_ref[...]
    y = jnp.dot(z, w1_ref[...], preferred_element_type=jnp.float32)
    y = jnp.maximum(y + b1_ref[...], 0.0)
    y = jnp.dot(y, w2_ref[...], preferred_element_type=jnp.float32)
    o_ref[...] = jnp.maximum(y + b2_ref[...], 0.0)


@jax.jit
def _mlp(h, p, w1, b1, w2, b2):
    return pl.pallas_call(
        _mlp_body,
        grid=(NP // BR,),
        in_specs=[
            pl.BlockSpec((BR, D), lambda i: (i, 0)),
            pl.BlockSpec((BR, D), lambda i: (i, 0)),
            pl.BlockSpec((D, H), lambda i: (0, 0)),
            pl.BlockSpec((1, H), lambda i: (0, 0)),
            pl.BlockSpec((H, H), lambda i: (0, 0)),
            pl.BlockSpec((1, H), lambda i: (0, 0)),
        ],
        out_specs=pl.BlockSpec((BR, D), lambda i: (i, 0)),
        out_shape=jax.ShapeDtypeStruct((NP, D), jnp.float32),
    )(h, p, w1, b1, w2, b2)


def _mlp3_body(h_ref, p_ref, b_ref, w1_ref, b1_ref, w2_ref, b2_ref,
               wm1_ref, bm1_ref, wm2_ref, bm2_ref, o_ref,
               pool_ref, cnt_ref):
    i = pl.program_id(0)
    z = h_ref[...] + p_ref[...]
    y = jnp.dot(z, w1_ref[...], preferred_element_type=jnp.float32)
    y = jnp.maximum(y + b1_ref[...], 0.0)
    y = jnp.dot(y, w2_ref[...], preferred_element_type=jnp.float32)
    y = jnp.maximum(y + b2_ref[...], 0.0)

    gids = lax.broadcasted_iota(jnp.int32, (BR, G), 1)
    oh = (b_ref[...] == gids).astype(jnp.float32)
    pool = lax.dot_general(oh, y, (((0,), (0,)), ((), ())),
                           preferred_element_type=jnp.float32)
    cnt = lax.dot_general(oh, jnp.ones((BR, D), jnp.float32),
                          (((0,), (0,)), ((), ())),
                          preferred_element_type=jnp.float32)

    @pl.when(i == 0)
    def _():
        pool_ref[...] = pool
        cnt_ref[...] = cnt

    @pl.when(i > 0)
    def _():
        pool_ref[...] += pool
        cnt_ref[...] += cnt

    @pl.when(i == NP // BR - 1)
    def _():
        g = pool_ref[...] / jnp.maximum(cnt_ref[...], 1.0)
        u = jnp.dot(g, wm1_ref[...], preferred_element_type=jnp.float32)
        u = jnp.maximum(u + bm1_ref[...], 0.0)
        o = jnp.dot(u, wm2_ref[...], preferred_element_type=jnp.float32)
        o = o + bm2_ref[...]
        m = jnp.max(o, axis=1, keepdims=True)
        e = jnp.exp(o - m)
        o_ref[...] = e / jnp.sum(e, axis=1, keepdims=True)


@jax.jit
def _mlp3(h, p, batch2d, w1, b1, w2, b2, wm1, bm1, wm2p, bm2p):
    return pl.pallas_call(
        _mlp3_body,
        grid=(NP // BR,),
        in_specs=[
            pl.BlockSpec((BR, D), lambda i: (i, 0)),
            pl.BlockSpec((BR, D), lambda i: (i, 0)),
            pl.BlockSpec((BR, 1), lambda i: (i, 0)),
            pl.BlockSpec((D, H), lambda i: (0, 0)),
            pl.BlockSpec((1, H), lambda i: (0, 0)),
            pl.BlockSpec((H, H), lambda i: (0, 0)),
            pl.BlockSpec((1, H), lambda i: (0, 0)),
            pl.BlockSpec((H, G), lambda i: (0, 0)),
            pl.BlockSpec((1, G), lambda i: (0, 0)),
            pl.BlockSpec((G, H), lambda i: (0, 0)),
            pl.BlockSpec((1, H), lambda i: (0, 0)),
        ],
        out_specs=pl.BlockSpec((G, H), lambda i: (0, 0)),
        out_shape=jax.ShapeDtypeStruct((G, H), jnp.float32),
        scratch_shapes=[
            pltpu.VMEM((G, D), jnp.float32),
            pltpu.VMEM((G, D), jnp.float32),
        ],
    )(h, p, batch2d, w1, b1, w2, b2, wm1, bm1, wm2p, bm2p)



def _assemble(p):
    full = jnp.concatenate([p[0, :NHALF], p[1, :NHALF]], axis=0)
    return jnp.pad(full, ((0, NP - N), (0, 0)))


def kernel(x, edge_index, batch, emb,
           W1_0, b1_0, W2_0, b2_0,
           W1_1, b1_1, W2_1, b2_1,
           W1_2, b1_2, W2_2, b2_2,
           Wm1, bm1, Wm2, bm2):
    x = x.astype(jnp.int32)
    src = edge_index[0].astype(jnp.int32)
    dst = edge_index[1].astype(jnp.int32)
    batch = batch.astype(jnp.int32)

    xp = jnp.pad(x, (0, NP - N))
    xr = xp.reshape(NC, NS, KE, CE)

    pad = EP - E
    srcf = jnp.pad(src, (0, pad)).reshape(NS, ET)
    dst_fill = N + jnp.arange(pad, dtype=jnp.int32) % TRR
    dstf = jnp.concatenate([dst, dst_fill]).reshape(NS, ET)

    zrows = jnp.zeros((RPAL, D), jnp.float32)
    batch2d = jnp.pad(batch, (0, NP - N), constant_values=G).reshape(NP, 1)

    b1_0r, b2_0r = b1_0.reshape(1, H), b2_0.reshape(1, H)
    b1_1r, b2_1r = b1_1.reshape(1, H), b2_1.reshape(1, H)
    b1_2r, b2_2r = b1_2.reshape(1, H), b2_2.reshape(1, H)
    bm1r = bm1.reshape(1, G)
    wm2p = jnp.pad(Wm2, ((0, 0), (0, H - 2)))
    bm2p = jnp.concatenate([bm2, jnp.full((H - 2,), -1e30, jnp.float32)])
    bm2p = bm2p.reshape(1, H)

    h = _embed(emb, xr)
    sb, db = _part(srcf, dstf)
    srcr = sb.reshape(NS, NC, KB, CA)
    dstr = db.reshape(NS, NC, KB, CA)

    p = _assemble(_agg(h, srcr, dstr, zrows))
    h = _mlp(h, p, W1_0, b1_0r, W2_0, b2_0r)
    p = _assemble(_agg(h, srcr, dstr, zrows))
    h = _mlp(h, p, W1_1, b1_1r, W2_1, b2_1r)
    p = _assemble(_agg(h, srcr, dstr, zrows))
    out = _mlp3(h, p, batch2d, W1_2, b1_2r, W2_2, b2_2r,
                Wm1, bm1r, wm2p, bm2p)
    return out[:, :2]

# --- scband reference (transcript-rebuilt; emitter-appended) ---
"""Pipeline reference for scband-ginmodel-1013612282298 (READ-ONLY COPY).

The authoritative reference and input builder live on the scoring server;
editing this copy changes nothing except your own understanding.
"""

import jax, jax.numpy as jnp
import numpy as np

N = 10000
E = 320000
V = 100000
D = 128
H = 128
G = 64


def setup_inputs(seed: int = 0) -> dict:
    key = jax.random.key(seed)
    ks = jax.random.split(key, 24)
    x = jax.random.randint(ks[0], (N,), 0, V, dtype=jnp.int64) if jax.config.jax_enable_x64 else jax.random.randint(ks[0], (N,), 0, V)
    edge_index = jax.random.randint(ks[1], (2, E), 0, N)
    batch = jnp.sort(jax.random.randint(ks[2], (N,), 0, G))
    emb = jax.random.normal(ks[3], (V, D), dtype=jnp.float32) * 0.02
    emb = emb.at[0].set(0.0)  # padding_idx=0
    inp = {"x": x, "edge_index": edge_index, "batch": batch, "emb": emb}
    dims_in = [D, H, H]
    for i in range(3):
        din = dims_in[i]
        inp[f"W1_{i}"] = jax.random.normal(ks[4 + 4 * i], (din, H), dtype=jnp.float32) * (1.0 / np.sqrt(din))
        inp[f"b1_{i}"] = jnp.zeros((H,), dtype=jnp.float32)
        inp[f"W2_{i}"] = jax.random.normal(ks[5 + 4 * i], (H, H), dtype=jnp.float32) * (1.0 / np.sqrt(H))
        inp[f"b2_{i}"] = jnp.zeros((H,), dtype=jnp.float32)
    inp["Wm1"] = jax.random.normal(ks[16], (H, H // 2), dtype=jnp.float32) * (1.0 / np.sqrt(H))
    inp["bm1"] = jnp.zeros((H // 2,), dtype=jnp.float32)
    inp["Wm2"] = jax.random.normal(ks[17], (H // 2, 2), dtype=jnp.float32) * (1.0 / np.sqrt(H // 2))
    inp["bm2"] = jnp.zeros((2,), dtype=jnp.float32)
    return inp


def reference(x, edge_index, batch, emb,
              W1_0, b1_0, W2_0, b2_0,
              W1_1, b1_1, W2_1, b2_1,
              W1_2, b1_2, W2_2, b2_2,
              Wm1, bm1, Wm2, bm2):
    # embedding lookup
    h = jnp.take(emb, x, axis=0)
    src = edge_index[0]
    dst = edge_index[1]
    layers = [(W1_0, b1_0, W2_0, b2_0), (W1_1, b1_1, W2_1, b2_1), (W1_2, b1_2, W2_2, b2_2)]
    for (W1, b1, W2, b2) in layers:
        # GINConv (eps=0): aggregated = sum_{j->i} h_j ; out = MLP(h_i + aggregated)
        msgs = jnp.take(h, src, axis=0)
        agg = jax.ops.segment_sum(msgs, dst, num_segments=N)
        z = h + agg
        z = jnp.maximum(jnp.dot(z, W1) + b1, 0.0)
        z = jnp.dot(z, W2) + b2
        h = jnp.maximum(z, 0.0)  # F.relu after conv (dropout is no-op in eval)
    # global_mean_pool
    sums = jax.ops.segment_sum(h, batch, num_segments=G)
    counts = jax.ops.segment_sum(jnp.ones((N,), dtype=jnp.float32), batch, num_segments=G)
    g = sums / jnp.maximum(counts, 1.0)[:, None]
    # final MLP (dropout no-op in eval)
    out = jnp.maximum(jnp.dot(g, Wm1) + bm1, 0.0)
    out = jnp.dot(out, Wm2) + bm2
    return jax.nn.softmax(out, axis=1)

if __name__ == "__main__":
    import jax
    _d = setup_inputs()
    print(jax.jit(kernel)(*tuple(_d.values())))

</pallas_src>

<mosaic_0001>
#map = affine_map<(d0, d1) -> (0, 0)>
#map1 = affine_map<(d0, d1) -> (0, 0, 0, 0)>
module attributes {stable_mosaic.version = 14 : i64} {
  func.func @_embed_body(%arg0: i32, %arg1: i32, %arg2: memref<100000x128xf32, #tpu.memory_space<hbm>>, %arg3: memref<2x16x4x80xi32, #tpu.memory_space<hbm>>, %arg4: memref<10240x128xf32, #tpu.memory_space<hbm>>, %arg5: memref<4x80xi32, #tpu.memory_space<vmem>>, %arg6: memref<80x128xf32, #tpu.memory_space<vmem>>, %arg7: memref<!tpu.dma_semaphore, #tpu.memory_space<semaphore_mem>>) attributes {dimension_semantics = [#tpu.dimension_semantics<core_parallel>, #tpu.dimension_semantics<subcore_parallel>], iteration_bounds = array<i64: 2, 16>, scalar_prefetch = 0 : i64, scratch_operands = 3 : i64, tpu.core_type = #tpu.core_type<sc_vector_subcore>, window_params = [{transform_indices = #map}, {transform_indices = #map1}, {transform_indices = #map}]} {
    %mul3A = arith.constant 16 : i32
    %mul3A_0 = arith.muli %arg0, %mul3A : i32
    %add3A = arith.addi %mul3A_0, %arg1 : i32
    "tpu.region"() ({
      %run_scoped3A = tpu.sem_alloc : memref<!tpu.dma_semaphore, #tpu.memory_space<semaphore_mem>>
      %dma_start3A = arith.constant 0 : i32
      %dma_start3A_8 = arith.constant 0 : i32
      %dma_start3A_9 = tpu.memref_slice %arg3[%arg0, %arg1, %dma_start3A, %dma_start3A_8] : memref<2x16x4x80xi32, #tpu.memory_space<hbm>> -> memref<1x1x4x80xi32, #tpu.memory_space<hbm>>
      %dma_start3A_10 = tpu.memref_squeeze %dma_start3A_9 : memref<1x1x4x80xi32, #tpu.memory_space<hbm>> -> memref<4x80xi32, #tpu.memory_space<hbm>>
      %dma_start3A_11 = arith.constant 0 : i32
      %dma_start3A_12 = arith.constant 0 : i32
      %dma_start3A_13 = tpu.memref_slice %arg3[%arg0, %arg1, %dma_start3A_11, %dma_start3A_12] : memref<2x16x4x80xi32, #tpu.memory_space<hbm>> -> memref<1x1x4x80xi32, #tpu.memory_space<hbm>>
      %dma_start3A_14 = tpu.memref_squeeze %dma_start3A_13 : memref<1x1x4x80xi32, #tpu.memory_space<hbm>> -> memref<4x80xi32, #tpu.memory_space<hbm>>
      tpu.enqueue_dma source(%dma_start3A_14 : memref<4x80xi32, #tpu.memory_space<hbm>>) target(%arg5 : memref<4x80xi32, #tpu.memory_space<vmem>>) target_semaphore(%run_scoped3A : memref<!tpu.dma_semaphore, #tpu.memory_space<semaphore_mem>>)
      %dma_wait3A = arith.constant 0 : i32
      %dma_wait3A_15 = arith.constant 0 : i32
      %dma_wait3A_16 = tpu.memref_slice %arg3[%arg0, %arg1, %dma_wait3A, %dma_wait3A_15] : memref<2x16x4x80xi32, #tpu.memory_space<hbm>> -> memref<1x1x4x80xi32, #tpu.memory_space<hbm>>
      %dma_wait3A_17 = tpu.memref_squeeze %dma_wait3A_16 : memref<1x1x4x80xi32, #tpu.memory_space<hbm>> -> memref<4x80xi32, #tpu.memory_space<hbm>>
      %dma_wait3A_18 = arith.constant 0 : i32
      %dma_wait3A_19 = arith.constant 0 : i32
      %dma_wait3A_20 = tpu.memref_slice %arg3[%arg0, %arg1, %dma_wait3A_18, %dma_wait3A_19] : memref<2x16x4x80xi32, #tpu.memory_space<hbm>> -> memref<1x1x4x80xi32, #tpu.memory_space<hbm>>
      %dma_wait3A_21 = tpu.memref_squeeze %dma_wait3A_20 : memref<1x1x4x80xi32, #tpu.memory_space<hbm>> -> memref<4x80xi32, #tpu.memory_space<hbm>>
      tpu.wait_dma2 semaphore(%run_scoped3A : memref<!tpu.dma_semaphore, #tpu.memory_space<semaphore_mem>>) src(%dma_wait3A_21 : memref<4x80xi32, #tpu.memory_space<hbm>>) dst(%arg5 : memref<4x80xi32, #tpu.memory_space<vmem>>)
      tpu.yield
    }) : () -> ()
    %mul3A_1 = arith.constant 320 : i32
    %mul3A_2 = arith.muli %add3A, %mul3A_1 : i32
    %scan3A = arith.constant 0 : i32
    %scan3A_3 = arith.constant 0 : i32
    %scan3A_4 = arith.constant 4 : i32
    %scan3A_5 = arith.addi %scan3A_3, %scan3A_4 : i32
    %scan3A_6 = arith.constant 1 : i32
    scf.for %scan3A_8 = %scan3A_3 to %scan3A_5 step %scan3A_6  : i32 {
      %dma_start3A = arith.constant 0 : i32
      %dma_start3A_9 = tpu.memref_slice %arg5[%scan3A_8, %dma_start3A] : memref<4x80xi32, #tpu.memory_space<vmem>> -> memref<1x80xi32, #tpu.memory_space<vmem>>
      %dma_start3A_10 = tpu.memref_squeeze %dma_start3A_9 : memref<1x80xi32, #tpu.memory_space<vmem>> -> memref<80xi32, #tpu.memory_space<vmem>>
      %dma_start3A_11 = arith.constant 0 : i32
      %dma_start3A_12 = arith.constant 0 : i32
      %dma_start3A_13 = tpu.memref_slice %arg2[%dma_start3A_11, %dma_start3A_12] : memref<100000x128xf32, #tpu.memory_space<hbm>> -> memref<100000x128xf32, #tpu.memory_space<hbm>>
      tpu.enqueue_indirect_dma source(%dma_start3A_13 : memref<100000x128xf32, #tpu.memory_space<hbm>>) target(%arg6 : memref<80x128xf32, #tpu.memory_space<vmem>>) offsets(%dma_start3A_10 : memref<80xi32, #tpu.memory_space<vmem>>) semaphore(%arg7 : memref<!tpu.dma_semaphore, #tpu.memory_space<semaphore_mem>>)
      %dma_wait3A = arith.constant 0 : i32
      %dma_wait3A_14 = tpu.memref_slice %arg5[%scan3A_8, %dma_wait3A] : memref<4x80xi32, #tpu.memory_space<vmem>> -> memref<1x80xi32, #tpu.memory_space<vmem>>
      %dma_wait3A_15 = tpu.memref_squeeze %dma_wait3A_14 : memref<1x80xi32, #tpu.memory_space<vmem>> -> memref<80xi32, #tpu.memory_space<vmem>>
      %dma_wait3A_16 = arith.constant 0 : i32
      %dma_wait3A_17 = arith.constant 0 : i32
      %dma_wait3A_18 = tpu.memref_slice %arg2[%dma_wait3A_16, %dma_wait3A_17] : memref<100000x128xf32, #tpu.memory_space<hbm>> -> memref<100000x128xf32, #tpu.memory_space<hbm>>
      tpu.wait_indirect_dma semaphore(%arg7 : memref<!tpu.dma_semaphore, #tpu.memory_space<semaphore_mem>>) src(%dma_wait3A_18 : memref<100000x128xf32, #tpu.memory_space<hbm>>) dst(%arg6 : memref<80x128xf32, #tpu.memory_space<vmem>>)
      %mul3A_19 = arith.constant 80 : i32
      %mul3A_20 = arith.muli %scan3A_8, %mul3A_19 : i32
      %add3A_21 = arith.addi %mul3A_2, %mul3A_20 : i32
      "tpu.region"() ({
        %run_scoped3A = tpu.sem_alloc : memref<!tpu.dma_semaphore, #tpu.memory_space<semaphore_mem>>
        %dma_start3A_22 = arith.constant 0 : i32
        %dma_start3A_23 = tpu.memref_slice %arg4[%add3A_21, %dma_start3A_22] : memref<10240x128xf32, #tpu.memory_space<hbm>> -> memref<80x128xf32, #tpu.memory_space<hbm>>
        %dma_start3A_24 = arith.constant 0 : i32
        %dma_start3A_25 = tpu.memref_slice %arg4[%add3A_21, %dma_start3A_24] : memref<10240x128xf32, #tpu.memory_space<hbm>> -> memref<80x128xf32, #tpu.memory_space<hbm>>
        tpu.enqueue_dma source(%arg6 : memref<80x128xf32, #tpu.memory_space<vmem>>) target(%dma_start3A_25 : memref<80x128xf32, #tpu.memory_space<hbm>>) target_semaphore(%run_scoped3A : memref<!tpu.dma_semaphore, #tpu.memory_space<semaphore_mem>>)
        %dma_wait3A_26 = arith.constant 0 : i32
        %dma_wait3A_27 = tpu.memref_slice %arg4[%add3A_21, %dma_wait3A_26] : memref<10240x128xf32, #tpu.memory_space<hbm>> -> memref<80x128xf32, #tpu.memory_space<hbm>>
        %dma_wait3A_28 = arith.constant 0 : i32
        %dma_wait3A_29 = tpu.memref_slice %arg4[%add3A_21, %dma_wait3A_28] : memref<10240x128xf32, #tpu.memory_space<hbm>> -> memref<80x128xf32, #tpu.memory_space<hbm>>
        tpu.wait_dma2 semaphore(%run_scoped3A : memref<!tpu.dma_semaphore, #tpu.memory_space<semaphore_mem>>) src(%arg6 : memref<80x128xf32, #tpu.memory_space<vmem>>) dst(%dma_wait3A_29 : memref<80x128xf32, #tpu.memory_space<hbm>>)
        tpu.yield
      }) : () -> ()
    }
    %scan3A_7 = arith.constant 4 : i32
    return
  }
}

</mosaic_0001>

<sc_bundles>
// kernel: _embed.3.cloned.1.call-start
scs
__scs_entry_jumppad:
0x0: {  	(pc) =	sbr.rel $0x88, $3  }
0x1: {  	(tag) =	ssettag $0x0;
	lr =	simm.s32 $0x1  }
0x2: {  	[smem:$0x3F9F] =	sst lr;
	_ =	strace $0xD0000000  }
0x3: {  	_ = 	snop  }
0x4: {  	_ = 	snop  }
0x5: {  	_ = 	snop  }
0x6: {  	_ = 	snop  }
0x7: {  	_ = 	snop  }
__scs_overlays_trampoline_lowered:
0x8: {  	[smem:$0x3FAE] =	sst s0  }
0x9: {  	[smem:$0x3FAF] =	sst s1  }
0xa: {  	[smem:$0x3FB0] =	sst s2  }
0xb: {  	[smem:$0x3FB1] =	sst s3  }
0xc: {  	[smem:$0x3FB2] =	sst s4  }
0xd: {  	[smem:$0x3FB3] =	sst s5  }
0xe: {  	[smem:$0x3FB4] =	sst s6  }
0xf: {  	[smem:$0x3FB5] =	sst s7  }
0x10: {  	[smem:$0x3FB6] =	sst s8  }
0x11: {  	[smem:$0x3FB7] =	sst s9;
	s0 =	simm.s32 @!p0 $0x0  }
0x12: {  	s1 =	sld [smem:$0x3F9D];
	s0 =	simm.s32 @p0 $0x1  }
0x13: {  	[smem:$0x3FB8] =	sst s0;
	s0 =	simm.s32 @!p1 $0x0  }
0x14: {  	s2 =	sld [smem:$0x3F9C];
	s0 =	simm.s32 @p1 $0x1  }
0x15: {  	[smem:$0x3FB9] =	sst s0;
	s0 =	simm.s32 @!p2 $0x0  }
0x16: {  	s3 =	sld [smem:$0x3FDB];
	s0 =	simm.s32 @p2 $0x1  }
0x17: {  	s4 =	simm.s32 $0x1BF5;
	[smem:$0x3FBB] =	sst s0  }
0x18: {  	s0 =	sld [smem:$0x3F9E];
	_ =	swait.ge [sflag:s4], $0x0  }
0x19: {  	s7 =	sld [smem:$0x3F9F]  }
0x1a: {  	s8 =	sadd.s32 $0xFFFFE003, lr  }
0x1b: {  	s9 =	sadd.s32 $0xFFFFFEF7, lr;
	s5 =	simm.s32 $0xFFFFFFFF;
	p2 =	slt.u32 s8, $0xFFFFF086  }
0x1c: {  	p1 =	slt.u32 s9, $0xF7A;
	s5 =	simm.s32 @!p2 $0x0  }
0x1d: {  	s5 =	simm.s32 @p1 $0x1;
	p0 =	seq.s32 s7, s2  }
0x1e: {  	s7 =	smul.u32 @!p0 $0xF7A, s2;
	p2 =	seq.s32 @!p0 s5, $0x0  }
0x1f: {  	s9 =	smul.u32 $0xF7A, s1;
	s8 =	simm.s32 @!p0 $0x1BF5;
	p2 =	por !p2, p0  }
0x20: {  	[sflag:s8] =	ssyncset.s32 @!p0 $0xFFFFF086;
	s6 =	sadd.s32 @!p0 s3, s7;
	s7 =	simm.s32 @!p0 $0x108  }
0x21: {  	s3 =	sadd.s32 s3, s9;
	s6 =	sadd.s32 @!p0 $0x88, s6;
	s7 =	simm.s32 @p2 $0x1082  }
0x22: {  	[simem:s7], [sflag:s8] =	dma.local @!p0 [hbm:s6], $0xF7A  }
0x23: {  	s9 =	sor.u32 $0xD0000000, s2;
	s6 =	simm.s32 $0x108;
	_ =	swait.ge @!p0 [sflag:s8], $0x0  }
0x24: {  	s3 =	sadd.s32 $0x88, s3;
	s6 =	simm.s32 @!p1 $0x1082;
	[sflag:s4] =	ssyncset.s32 $0xFFFFF086  }
0x25: {  	[simem:s6], [sflag:s4] =	dma.local [hbm:s3], $0xF7A  }
0x26: {  	[smem:$0x3F9F] =	sst s1;
	(tag) =	ssettag s2;
	_ =	strace s9  }
0x27: {  	s1 =	sld [smem:$0x3FAF]  }
0x28: {  	s2 =	sld [smem:$0x3FB0]  }
0x29: {  	s4 =	sld [smem:$0x3FB2]  }
0x2a: {  	p0 =	seq.s32 s5, $0x0;
	s5 =	sld [smem:$0x3FB3]  }
0x2b: {  	s6 =	sld [smem:$0x3FB4]  }
0x2c: {  	s7 =	sld [smem:$0x3FB5]  }
0x2d: {  	s3 =	simm.s32 $0x108;
	s8 =	sld [smem:$0x3FB6]  }
0x2e: {  	s3 =	simm.s32 @!p0 $0x1082;
	s9 =	sld [smem:$0x3FB7]  }
0x2f: {  	lr =	sadd.s32 s0, s3;
	s0 =	sld [smem:$0x3FAE]  }
0x30: {  	s3 =	sld [smem:$0x3FB1]  }
0x31: {  	[smem:$0x3FBA] =	sst s10  }
0x32: {  	s10 =	sld [smem:$0x3FB8];
	_ =	sdelay $0x3  }
0x33: {  	p0 =	seq.s32 s10, $0x1;
	s10 =	sld [smem:$0x3FBA];
	_ =	sdelay $0x3  }
0x34: {  	[smem:$0x3FBA] =	sst s10  }
0x35: {  	s10 =	sld [smem:$0x3FB9];
	_ =	sdelay $0x3  }
0x36: {  	p1 =	seq.s32 s10, $0x1;
	s10 =	sld [smem:$0x3FBA];
	_ =	sdelay $0x3  }
0x37: {  	[smem:$0x3FBA] =	sst s10  }
0x38: {  	s10 =	sld [smem:$0x3FBB]  }
0x39: {  	_ = 	snop;
	(pc) =	sbr.ind lr, $3  }
0x3a: {  	_ = 	snop  }
0x3b: {  	_ = 	snop  }
0x3c: {  	p2 =	seq.s32 s10, $0x1;
	s10 =	sld [smem:$0x3FBA]  }
0x3d: {  	_ =	shalt  }
0x3e: {  	_ =	shalt  }
0x3f: {  	_ =	shalt  }
0x40: {  	_ =	shalt  }
0x41: {  	_ =	shalt  }
0x42: {  	_ =	shalt  }
0x43: {  	_ =	shalt  }
0x44: {  	_ =	shalt  }
0x45: {  	_ =	shalt  }
0x46: {  	_ =	shalt  }
0x47: {  	_ =	shalt  }
0x48: {  	_ =	shalt  }
0x49: {  	_ =	shalt  }
0x4a: {  	_ =	shalt  }
0x4b: {  	_ =	shalt  }
0x4c: {  	_ =	shalt  }
0x4d: {  	_ =	shalt  }
0x4e: {  	_ =	shalt  }
0x4f: {  	_ =	shalt  }
0x50: {  	_ =	shalt  }
0x51: {  	_ =	shalt  }
0x52: {  	_ =	shalt  }
0x53: {  	_ =	shalt  }
0x54: {  	_ =	shalt  }
0x55: {  	_ =	shalt  }
0x56: {  	_ =	shalt  }
0x57: {  	_ =	shalt  }
0x58: {  	_ =	shalt  }
0x59: {  	_ =	shalt  }
0x5a: {  	_ =	shalt  }
0x5b: {  	_ =	shalt  }
0x5c: {  	_ =	shalt  }
0x5d: {  	_ =	shalt  }
0x5e: {  	_ =	shalt  }
0x5f: {  	_ =	shalt  }
0x60: {  	_ =	shalt  }
0x61: {  	_ =	shalt  }
0x62: {  	_ =	shalt  }
0x63: {  	_ =	shalt  }
0x64: {  	_ =	shalt  }
0x65: {  	_ =	shalt  }
0x66: {  	_ =	shalt  }
0x67: {  	_ =	shalt  }
0x68: {  	_ =	shalt  }
0x69: {  	_ =	shalt  }
0x6a: {  	_ =	shalt  }
0x6b: {  	_ =	shalt  }
0x6c: {  	_ =	shalt  }
0x6d: {  	_ =	shalt  }
0x6e: {  	_ =	shalt  }
0x6f: {  	_ =	shalt  }
0x70: {  	_ =	shalt  }
0x71: {  	_ =	shalt  }
0x72: {  	_ =	shalt  }
0x73: {  	_ =	shalt  }
0x74: {  	_ =	shalt  }
0x75: {  	_ =	shalt  }
0x76: {  	_ =	shalt  }
0x77: {  	_ =	shalt  }
0x78: {  	_ =	shalt  }
0x79: {  	_ =	shalt  }
0x7a: {  	_ =	shalt  }
0x7b: {  	_ =	shalt  }
0x7c: {  	_ =	shalt  }
0x7d: {  	_ =	shalt  }
0x7e: {  	_ =	shalt  }
0x7f: {  	_ =	shalt  }
0x80: {  	_ =	shalt  }
0x81: {  	_ =	shalt  }
0x82: {  	_ =	shalt  }
0x83: {  	_ =	shalt  }
0x84: {  	_ =	shalt  }
0x85: {  	_ =	shalt  }
0x86: {  	_ =	shalt  }
0x87: {  	_ =	shalt  }
.Lfunc_end0:
.L_simem_size_0:
called_computation_lowered:
.L_overlay_start_0:
0x88: {  	s2 =	sld [smem:$0x3FD9]  }
0x89: {  	s3 =	sld [smem:$0x3FFE];
	_ =	sdelay $0x1  }
0x8a: {  	s1 =	srdreg.scid  }
0x8b: {  	s0 =	sand.u32 $0x1, s1  }
0x8c: {  	s18 =	sshll.u32 s0, $0xA;
	s2 =	sadd.s32 s3, s2  }
0x8d: {  	s2 =	sadd.s32 s2, s18  }
0x8e: {  	[smem:$0x3FC6] =	sst s2  }
0x8f: {  	_ = 	snop  }
0x90: {  	s2 =	sld [smem:$0x3FC9]  }
0x91: {  	s19 =	sld [smem:$0x3FC8]  }
0x92: {  	s4 =	sld [smem:$0x3FD0];
	(tm) =	ssettm $0x1  }
0x93: {  	s5 =	sld [smem:$0x3FFB];
	_ =	sdelay $0x3  }
0x94: {  	_ =	strace s5  }
0x95: {  	s5 =	sld [smem:$0x3FFC];
	_ =	sdelay $0x3  }
0x96: {  	_ =	strace s5  }
0x97: {  	s5 =	sld [smem:$0x3FFD];
	_ =	sdelay $0x3  }
0x98: {  	_ =	strace s5  }
0x99: {  	_ =	strace $0x8FFFFFFF  }
0x9a: {  	s20 =	sld [smem:$0x3FDB];
	_ =	sdelay $0x1  }
0x9b: {  	s6 =	simm.s32 $_scs_section_size  }
0x9c: {  	s7 =	simm.s32 $_size__tile_overlayer_lowered;
	s8 =	simm.s32 $_tile_overlayer_lowered  }
0x9d: {  	s23 =	simm.s32 $0x1BFF;
	s22 =	sshll.u32 s8, $0x1;
	s5 =	sadd.s32 s6, s20  }
0x9e: {  	s9 =	simm.s32 $0x0;
	s21 =	sshll.u32 s7, $0x1;
	s7 =	sadd.s32 s22, s5  }
0x9f: {  	[timem:s9], [sflag:s23] =	dma.local [hbm:s7], s21  }
0xa0: {  	_ =	swait.ge [sflag:s23], s21  }
0xa1: {  	s6 =	ssub.s32 $0x0, s21;
	[sflag:s23] =	ssyncset.done $0x0  }
0xa2: {  	[sflag:s23] =	ssyncadd.s32 s6;
	_ =	sdelay $0x1  }
0xa3: {  	s24 =	simm.s32 $0x1B8B  }
0xa4: {  	_ =	swait.ge [sflag:s24], $0x1  }
0xa5: {  	[sflag:s24] =	ssyncset.done $0x0  }
0xa6: {  	s25 =	simm.s32 $0x1B8E;
	[sflag:s24] =	ssyncadd.s32 $0xFFFFFFFF  }
0xa7: {  	s26 =	simm.s32 $execute0_lowered;
	[smem:$0x3FD2] =	sst s25  }
0xa8: {  	s6 =	sshll.u32 s26, $0x1;
	_ =	strace $0x80000046;
	[dreg:$0x1] =	wrdreg $0xFFFFFFFF  }
0xa9: {  	s28 =	simm.s32 $_size_execute0_lowered;
	s5 =	sadd.s32 s5, s6;
	[dreg:$0x0] =	wrdreg $0x0  }
0xaa: {  	s6 =	sshll.u32 s28, $0x1;
	[dreg:$0x2] =	wrdreg s5  }
0xab: {  	[dreg:$0x3] =	wrdreg s6  }
0xac: {  	[dreg:$0x4] =	wrdreg $0xC0  }
0xad: {  	_ =	task [dreg:s9], $0x5FFFF  }
0xae: {  	[dreg:$0x1] =	wrdreg $0xFFFFFFFF  }
0xaf: {  	[dreg:$0x0] =	wrdreg $0x60  }
0xb0: {  	[dreg:$0x2] =	wrdreg s2  }
0xb1: {  	[dreg:$0x3] =	wrdreg s19  }
0xb2: {  	[dreg:$0x4] =	wrdreg s4  }
0xb3: {  	[dreg:$0x5] =	wrdreg $0x9  }
0xb4: {  	_ =	task.clear_ibuf [dreg:s9], $0x6FFFF;
	_ =	strace $0x90000046  }
0xb5: {  	s29 =	simm.s32 $0x9;
	_ =	strace $0x80000048  }
0xb6: {  	_ =	swait.ge [sflag:s29], $0x1  }
0xb7: {  	[sflag:s29] =	ssyncadd.s32 $0xFFFFFFFF  }
0xb8: {  	_ =	strace $0x90000048  }
0xb9: {  	_ =	sfence  }
0xba: {  	s30 =	sld [smem:$0x0];
	_ =	sdelay $0x2  }
0xbb: {  	s31 =	sshll.u32 s1, $0xD;
	s1 =	sshrl.u32 s1, $0x2  }
0xbc: {  	s3 =	sand.u32 $0x4000, s31;
	s1 =	sadd.s32 s1, s30  }
0xbd: {  	s0 =	sor.u32 s3, s0;
	s1 =	sshll.u32 s1, $0x11  }
0xbe: {  	s0 =	sor.u32 s1, s0  }
0xbf: {  	s0 =	sadd.s32 $0x8F2B, s0  }
0xc0: {  	[sflag:s0] =	ssyncadd.remote.s32 $0x1  }
0xc1: {  	_ =	sfence.sel $0xFFFF  }
0xc2: {  	[dreg:$0x0] =	wrdreg $0xFFFFFFFF;
	(pc) =	sbr.abs _section_cstart, $3  }
0xc3: {  	[dreg:$0x1] =	wrdreg $0xFFFFFFFF  }
0xc4: {  	_ =	task.clear_ibuf [dreg:s9], $0x2FFFF;
	_ =	strace $0x9FFFFFFF  }
0xc5: {  	(tm) =	ssettm $0x7FFFFFFF  }
tec
execute0_lowered:
.L_overlay_start_1:
0x0: {  	(tag) =	ssettag $0x1  }
0x1: {  	s2 =	rddreg [dreg:$0x0]  }
0x2: {  	s4 =	rddreg [dreg:$0x1]  }
0x3: {  	s9 =	rddreg [dreg:$0x2]  }
0x4: {  	s0 =	rddreg [dreg:$0x3]  }
0x5: {  	s5 =	srdreg.scid;
	s1 =	stileid.u32  }
0x6: {  	s3 =	simm.s32 $0x0;
	s14 =	sand.u32 $0x1, s5;
	s30 =	sshll.u32 s1, $0x6  }
0x7: {  	[smem:$0x7FF] =	sst s3;
	s6 =	sshll.u32 s14, $0xA;
	s4 =	sadd.s32 s4, s30  }
0x8: {  	_ =	strace $0x80000047;
	s5 =	sadd.s32 s6, s4;
	s4 =	simm.s32 $0x2  }
0x9: {  	[tilespmem:s3], [sflag:$0x2] =	stream.linear.gather [hbm4b:s5+s3], $0x200, $0x38;
	[tilespmem:$0x2A00] =	vst v63  }
0xa: {  	s7 =	simm.s32 $0x200;
	_ =	swait.ge [sflag:s4], $0x200  }
0xb: {  	s8 =	simm.s32 $0x1;
	s31 =	sshll.u32 s14, $0x4;
	[sflag:s4] =	ssyncset.done $0x0  }
0xc: {  	s10 =	sor.u32 s1, s31;
	s6 =	simm.s32 $0x50;
	[sflag:s4] =	ssyncadd.s32 $0xFFFFFE00  }
0xd: {  	[tilespmem:s7], [sflag:$0x1] =	stream.indirect.gather [hbm4b:s2+s6], $0x80, s3, s6, $0xb8;
	[tilespmem:$0x2A00] =	vst v63  }
0xe: {  	s10 =	smul.u32 $0x1400, s10;
	_ =	swait.ge [sflag:s8], $0x2800  }
0xf: {  	[sflag:s8] =	ssyncset.done $0x0  }
0x10: {  	s9 =	sadd.s32 s9, s10;
	[sflag:s8] =	ssyncadd.s32 $0xFFFFD800  }
0x11: {  	[hbm4b:s9+s3] =	stream.linear.scatter [tilespmem:s7], [sflag:$0x2], $0x2800, $0x38;
	[tilespmem:$0x2A00] =	vst v63  }
0x12: {  	_ =	swait.ge [sflag:s4], $0x2800  }
0x13: {  	[sflag:s4] =	ssyncset.done $0x0  }
0x14: {  	s10 =	simm.s32 $0x80;
	[sflag:s4] =	ssyncadd.s32 $0xFFFFD800  }
0x15: {  	[tilespmem:s7], [sflag:$0x1] =	stream.indirect.gather [hbm4b:s2+s6], $0x80, s10, s6, $0xb8;
	[tilespmem:$0x2A00] =	vst v63  }
0x16: {  	_ =	swait.ge [sflag:s8], $0x2800  }
0x17: {  	[sflag:s8] =	ssyncset.done $0x0  }
0x18: {  	s11 =	sadd.s32 $0x500, s9;
	[sflag:s8] =	ssyncadd.s32 $0xFFFFD800  }
0x19: {  	[hbm4b:s11+s3] =	stream.linear.scatter [tilespmem:s7], [sflag:$0x2], $0x2800, $0x38;
	[tilespmem:$0x2A00] =	vst v63  }
0x1a: {  	_ =	swait.ge [sflag:s4], $0x2800  }
0x1b: {  	[sflag:s4] =	ssyncset.done $0x0  }
0x1c: {  	s12 =	simm.s32 $0x100;
	[sflag:s4] =	ssyncadd.s32 $0xFFFFD800  }
0x1d: {  	[tilespmem:s7], [sflag:$0x1] =	stream.indirect.gather [hbm4b:s2+s6], $0x80, s12, s6, $0xb8;
	[tilespmem:$0x2A00] =	vst v63  }
0x1e: {  	_ =	swait.ge [sflag:s8], $0x2800  }
0x1f: {  	[sflag:s8] =	ssyncset.done $0x0  }
0x20: {  	s15 =	ssub.s32 $0x2, s14;
	s13 =	sadd.s32 $0xA00, s9;
	[sflag:s8] =	ssyncadd.s32 $0xFFFFD800  }
0x21: {  	[hbm4b:s13+s3] =	stream.linear.scatter [tilespmem:s7], [sflag:$0x2], $0x2800, $0x38;
	[tilespmem:$0x2A00] =	vst v63  }
0x22: {  	s16 =	sshrl.u32 s15, $0x1;
	_ =	swait.ge [sflag:s4], $0x2800  }
0x23: {  	s15 =	ssub.s32 s15, s16;
	[sflag:s4] =	ssyncset.done $0x0  }
0x24: {  	s14 =	simm.s32 $0x180;
	s16 =	smax.u32 s15, $0x1;
	[sflag:s4] =	ssyncadd.s32 $0xFFFFD800  }
0x25: {  	[tilespmem:s7], [sflag:$0x1] =	stream.indirect.gather [hbm4b:s2+s6], $0x80, s14, s6, $0xb8;
	[tilespmem:$0x2A00] =	vst v63  }
0x26: {  	p0 =	sne.s32 s16, $0x1;
	_ =	swait.ge [sflag:s8], $0x2800  }
.Ltmp0:
0x27: {  	[sflag:s8] =	ssyncset.done $0x0;
	(pc) =	sbr.rel @!p0 .LBB2_2-.Ltmp0, $4  }
0x28: {  	s15 =	sadd.s32 $0xF00, s9;
	[sflag:s8] =	ssyncadd.s32 $0xFFFFD800  }
0x29: {  	[hbm4b:s15+s3] =	stream.linear.scatter [tilespmem:s7], [sflag:$0x2], $0x2800, $0x38;
	[tilespmem:$0x2A00] =	vst v63  }
0x2a: {  	_ =	swait.ge [sflag:s4], $0x2800  }
0x2b: {  	s16 =	sadd.s32 $0xFFFFFFFF, s16;
	[sflag:s4] =	ssyncset.done $0x0  }
.LBB2_1:
0x2c: {  	p0 =	sne.s32 s16, $0x1;
	s16 =	sadd.s32 $0xFFFFFFFF, s16;
	[sflag:s4] =	ssyncadd.s32 $0xFFFFD800  }
0x2d: {  	[tilespmem:s3], [sflag:$0x2] =	stream.linear.gather [hbm4b:s5+s3], $0x200, $0x38;
	[tilespmem:$0x2A00] =	vst v63  }
0x2e: {  	_ =	swait.ge [sflag:s4], $0x200  }
0x2f: {  	[sflag:s4] =	ssyncset.done $0x0  }
0x30: {  	[sflag:s4] =	ssyncadd.s32 $0xFFFFFE00  }
0x31: {  	[tilespmem:s7], [sflag:$0x1] =	stream.indirect.gather [hbm4b:s2+s6], $0x80, s3, s6, $0xb8;
	[tilespmem:$0x2A00] =	vst v63  }
0x32: {  	_ =	swait.ge [sflag:s8], $0x2800  }
0x33: {  	[sflag:s8] =	ssyncset.done $0x0  }
0x34: {  	[sflag:s8] =	ssyncadd.s32 $0xFFFFD800  }
0x35: {  	[hbm4b:s9+s3] =	stream.linear.scatter [tilespmem:s7], [sflag:$0x2], $0x2800, $0x38;
	[tilespmem:$0x2A00] =	vst v63  }
0x36: {  	_ =	swait.ge [sflag:s4], $0x2800  }
0x37: {  	[sflag:s4] =	ssyncset.done $0x0  }
0x38: {  	[sflag:s4] =	ssyncadd.s32 $0xFFFFD800  }
0x39: {  	[tilespmem:s7], [sflag:$0x1] =	stream.indirect.gather [hbm4b:s2+s6], $0x80, s10, s6, $0xb8;
	[tilespmem:$0x2A00] =	vst v63  }
0x3a: {  	_ =	swait.ge [sflag:s8], $0x2800  }
0x3b: {  	[sflag:s8] =	ssyncset.done $0x0  }
0x3c: {  	[sflag:s8] =	ssyncadd.s32 $0xFFFFD800  }
0x3d: {  	[hbm4b:s11+s3] =	stream.linear.scatter [tilespmem:s7], [sflag:$0x2], $0x2800, $0x38;
	[tilespmem:$0x2A00] =	vst v63  }
0x3e: {  	_ =	swait.ge [sflag:s4], $0x2800  }
0x3f: {  	[sflag:s4] =	ssyncset.done $0x0  }
0x40: {  	[sflag:s4] =	ssyncadd.s32 $0xFFFFD800  }
0x41: {  	[tilespmem:s7], [sflag:$0x1] =	stream.indirect.gather [hbm4b:s2+s6], $0x80, s12, s6, $0xb8;
	[tilespmem:$0x2A00] =	vst v63  }
0x42: {  	_ =	swait.ge [sflag:s8], $0x2800  }
0x43: {  	[sflag:s8] =	ssyncset.done $0x0  }
0x44: {  	[sflag:s8] =	ssyncadd.s32 $0xFFFFD800  }
0x45: {  	[hbm4b:s13+s3] =	stream.linear.scatter [tilespmem:s7], [sflag:$0x2], $0x2800, $0x38;
	[tilespmem:$0x2A00] =	vst v63  }
0x46: {  	_ =	swait.ge [sflag:s4], $0x2800  }
0x47: {  	[sflag:s4] =	ssyncset.done $0x0  }
0x48: {  	[sflag:s4] =	ssyncadd.s32 $0xFFFFD800  }
0x49: {  	[tilespmem:s7], [sflag:$0x1] =	stream.indirect.gather [hbm4b:s2+s6], $0x80, s14, s6, $0xb8;
	[tilespmem:$0x2A00] =	vst v63  }
0x4a: {  	_ =	swait.ge [sflag:s8], $0x2800  }
.Ltmp1:
0x4b: {  	[sflag:s8] =	ssyncset.done $0x0;
	(pc) =	sbr.rel @p0 .LBB2_1-.Ltmp1, $4  }
0x4c: {  	[sflag:s8] =	ssyncadd.s32 $0xFFFFD800  }
0x4d: {  	[hbm4b:s15+s3] =	stream.linear.scatter [tilespmem:s7], [sflag:$0x2], $0x2800, $0x38;
	[tilespmem:$0x2A00] =	vst v63  }
0x4e: {  	_ =	swait.ge [sflag:s4], $0x2800  }
0x4f: {  	[sflag:s4] =	ssyncset.done $0x0  }
.LBB2_2:
0x50: {  	[sflag:s4] =	ssyncadd.s32 $0xFFFFD800  }
0x51: {  	_ =	sfence.sel $0x180000  }
0x52: {  	[bflag:$0x0] =	sbarrier.arrive $0xFFFF  }
0x53: {  	p0 =	sne.s32 s1, $0x0;
	_ =	strace $0x90000047  }
0x54: {  	s0 =	sadd.s32 @!p0 $0x100000, s0;
	[bflag:$0x2] =	sbarrier.arrive $0xFFFF  }
0x55: {  	[sflag:s0] =	ssyncadd.tile.s32 @!p0 $0x1;
	_ =	shalt  }
.Lfunc_end2:
_tile_overlayer_lowered:
.L_overlay_start_2:
0x56: {  	(tag) =	ssettag $0x2  }
0x57: {  	s0 =	rddreg [dreg:$0x0];
	s2 =	stileid.u32  }
0x58: {  	s1 =	rddreg [dreg:$0x1];
	p0 =	sne.s32 s2, $0x0  }
0x59: {  	s3 =	rddreg [dreg:$0x2];
	[bflag:$0x3] =	sbarrier.arrive $0xFFFF;
	s2 =	simm.s32 @!p0 $0x1C02  }
0x5a: {  	[timem:s3], [sflag:s2] =	dma.local @!p0 [hbm:s0], s1  }
0x5b: {  	s0 =	simm.s32 @!p0 $0x2  }
0x5c: {  	_ =	swait.ge @!p0 [sflag:s0], s1  }
0x5d: {  	s1 =	ssub.s32 @!p0 $0x0, s1;
	[sflag:s0] =	ssyncset.done @!p0 $0x0  }
0x5e: {  	[sflag:s0] =	ssyncadd.s32 @!p0 s1  }
0x5f: {  	[bflag:$0x3] =	sbarrier.arrive $0xFFFF  }
0x60: {  	_ =	shalt  }

</sc_bundles>
